<compile_context>
chip_gen: v7x
topology: tpu7x:2x2x1
jax: 0.10.2.dev20260603
libtpu: 0.0.44.dev20260713+nightly
codegen_flags: <defaults>
</compile_context>

<pallas_src>
import functools

import jax
import jax.numpy as jnp
from jax import lax
from jax.experimental import pallas as pl
from jax.experimental.pallas import tpu as pltpu
from jax.experimental.pallas import tpu_sc as plsc

_B, _D_IN, _D_EMB, _K = 2048, 3072, 256, 8192
_BM = 256

_NC, _NS = 2, 16
_NW = _NC * _NS
_BPW = _B // _NW


_KB = 2048
_NKB = _K // _KB


def _inmatmul_body(im1_ref, im2_ref, w_ref, x_ref, xbf_ref):
    diff = im1_ref[...] - im2_ref[...]
    x = lax.dot_general(diff, w_ref[...], (((1,), (0,)), ((), ())),
                        preferred_element_type=jnp.float32)
    x_ref[...] = x
    xbf_ref[...] = (-2.0 * x).astype(jnp.bfloat16)


def _inmatmul(image_1, image_2, W_in):
    return pl.pallas_call(
        _inmatmul_body,
        grid=(_B // _BM,),
        in_specs=[
            pl.BlockSpec((_BM, _D_IN), lambda i: (i, 0)),
            pl.BlockSpec((_BM, _D_IN), lambda i: (i, 0)),
            pl.BlockSpec((_D_IN, _D_EMB), lambda i: (0, 0)),
        ],
        out_specs=[
            pl.BlockSpec((_BM, _D_EMB), lambda i: (i, 0)),
            pl.BlockSpec((_BM, _D_EMB), lambda i: (i, 0)),
        ],
        out_shape=[
            jax.ShapeDtypeStruct((_B, _D_EMB), jnp.float32),
            jax.ShapeDtypeStruct((_B, _D_EMB), jnp.bfloat16),
        ],
    )(image_1, image_2, W_in)


def _argmin_body(xbf_ref, book_ref, idx_ref, bookbf_ref, b2_ref,
                 minv_ref, kid_ref):
    i = pl.program_id(0)
    k = pl.program_id(1)

    @pl.when(i == 0)
    def _():
        bb32 = book_ref[pl.ds(k * _KB, _KB), :]
        bookbf_ref[pl.ds(k * _KB, _KB), :] = bb32.astype(jnp.bfloat16)
        b2_ref[0:1, pl.ds(k * _KB, _KB)] = lax.dot_general(
            jnp.ones((1, _D_EMB), jnp.float32), bb32 * bb32,
            (((1,), (1,)), ((), ())),
            preferred_element_type=jnp.float32).astype(jnp.bfloat16)

    @pl.when(k == 0)
    def _():
        minv_ref[...] = jnp.full((_BM, _KB), jnp.inf, jnp.bfloat16)
        kid_ref[...] = jnp.zeros((_BM, _KB), jnp.bfloat16)

    dots = lax.dot_general(xbf_ref[...], bookbf_ref[pl.ds(k * _KB, _KB), :],
                           (((1,), (1,)), ((), ())),
                           preferred_element_type=jnp.float32)
    scores = dots.astype(jnp.bfloat16) + b2_ref[0:1, pl.ds(k * _KB, _KB)]
    better = scores < minv_ref[...]
    minv_ref[...] = jnp.where(better, scores, minv_ref[...])
    kid_ref[...] = jnp.where(better, jnp.bfloat16(k), kid_ref[...])

    @pl.when(k == _NKB - 1)
    def _():
        mv = minv_ref[...]
        m = jnp.min(mv, axis=1, keepdims=True)
        gidx = (kid_ref[...].astype(jnp.int32) * _KB
                + jax.lax.broadcasted_iota(jnp.int32, (_BM, _KB), 1))
        cand = jnp.where(mv <= m, gidx, jnp.int32(2**31 - 1))
        idx_ref[...] = jnp.min(cand, axis=1).reshape(1, 1, _BM)


def _argmin(xbf, book):
    return pl.pallas_call(
        _argmin_body,
        grid=(_B // _BM, _NKB),
        in_specs=[
            pl.BlockSpec((_BM, _D_EMB), lambda i, k: (i, 0)),
            pl.BlockSpec((_K, _D_EMB), lambda i, k: (0, 0)),
        ],
        out_specs=pl.BlockSpec((1, 1, _BM), lambda i, k: (i, 0, 0)),
        out_shape=jax.ShapeDtypeStruct((_B // _BM, 1, _BM), jnp.int32),
        scratch_shapes=[
            pltpu.VMEM((_K, _D_EMB), jnp.bfloat16),
            pltpu.VMEM((1, _K), jnp.bfloat16),
            pltpu.VMEM((_BM, _KB), jnp.bfloat16),
            pltpu.VMEM((_BM, _KB), jnp.bfloat16),
        ],
    )(xbf, book)


def _gather_rows(book, idx):
    mesh = plsc.VectorSubcoreMesh(core_axis_name="c", subcore_axis_name="s")

    @functools.partial(
        pl.kernel,
        mesh=mesh,
        out_type=jax.ShapeDtypeStruct((_B, _D_EMB), jnp.float32),
        scratch_types=[
            pltpu.VMEM((_BPW,), jnp.int32),
            pltpu.VMEM((_BPW, _D_EMB), jnp.float32),
            pltpu.SemaphoreType.DMA,
        ],
    )
    def k(book_hbm, idx_hbm, out_hbm, idx_v, rows_v, sem):
        wid = lax.axis_index("s") * _NC + lax.axis_index("c")
        base = wid * _BPW
        pltpu.sync_copy(idx_hbm.at[pl.ds(base, _BPW)], idx_v)
        pltpu.async_copy(book_hbm.at[idx_v], rows_v, sem).wait()
        pltpu.sync_copy(rows_v, out_hbm.at[pl.ds(base, _BPW)])

    return k(book, idx)


def _decode_body(x_ref, hq_ref, rv_ref, w_ref, b_ref, o_ref):
    x = x_ref[...]
    d = x - hq_ref[...]
    rn = jnp.sqrt(jnp.sum(d * d, axis=1, keepdims=True))
    rv = rv_ref[...]
    rvn = jnp.sqrt(jnp.sum(rv * rv, axis=1, keepdims=True))
    q = x + (rn / rvn + 1e-6) * rv
    o_ref[...] = lax.dot_general(q, w_ref[...], (((1,), (0,)), ((), ())),
                                 preferred_element_type=jnp.float32) + b_ref[...]


def _decode(x, hq, rv, W_out, b_out):
    return pl.pallas_call(
        _decode_body,
        grid=(_B // _BM,),
        in_specs=[
            pl.BlockSpec((_BM, _D_EMB), lambda i: (i, 0)),
            pl.BlockSpec((_BM, _D_EMB), lambda i: (i, 0)),
            pl.BlockSpec((_BM, _D_EMB), lambda i: (i, 0)),
            pl.BlockSpec((_D_EMB, _D_IN), lambda i: (0, 0)),
            pl.BlockSpec((1, _D_IN), lambda i: (0, 0)),
        ],
        out_specs=pl.BlockSpec((_BM, _D_IN), lambda i: (i, 0)),
        out_shape=jax.ShapeDtypeStruct((_B, _D_IN), jnp.float32),
    )(x, hq, rv, W_out, b_out.reshape(1, _D_IN))


def kernel(image_1, image_2, W_in, b_in, W_out, b_out, book):
    x, xbf = _inmatmul(image_1, image_2, W_in)
    idx3 = _argmin(xbf, book)
    idx = idx3.reshape(_B)
    hq = _gather_rows(book, idx)
    rv = jax.random.normal(jax.random.key(1234), (_B, _D_EMB), dtype=jnp.float32)
    return _decode(x, hq, rv, W_out, b_out)

# --- scband reference (transcript-rebuilt; emitter-appended) ---
"""Pipeline reference for scband-naive-codebook-38766374814394 (READ-ONLY COPY).

The authoritative reference and input builder live on the scoring server;
editing this copy changes nothing except your own understanding.
"""

import jax, jax.numpy as jnp
import numpy as np

B, D_IN, D_EMB, K = 2048, 3072, 256, 8192

def setup_inputs(seed: int = 0) -> dict:
    key = jax.random.key(seed)
    k1, k2, k3, k4, k5, k6, k7 = jax.random.split(key, 7)
    image_1 = jax.random.normal(k1, (B, D_IN), dtype=jnp.float32)
    image_2 = jax.random.normal(k2, (B, D_IN), dtype=jnp.float32)
    # Linear params (torch nn.Linear: y = x @ W.T + b); store W as [in, out] for x @ W
    lim_in = 1.0 / np.sqrt(D_IN)
    W_in = jax.random.uniform(k3, (D_IN, D_EMB), minval=-lim_in, maxval=lim_in, dtype=jnp.float32)
    b_in = jax.random.uniform(k4, (D_EMB,), minval=-lim_in, maxval=lim_in, dtype=jnp.float32)
    lim_out = 1.0 / np.sqrt(D_EMB)
    W_out = jax.random.uniform(k5, (D_EMB, D_IN), minval=-lim_out, maxval=lim_out, dtype=jnp.float32)
    b_out = jax.random.uniform(k6, (D_IN,), minval=-lim_out, maxval=lim_out, dtype=jnp.float32)
    book = jax.random.normal(k7, (K, D_EMB), dtype=jnp.float32)
    return {"image_1": image_1, "image_2": image_2, "W_in": W_in, "b_in": b_in, "W_out": W_out, "b_out": b_out, "book": book}

def _cdist(a, b):
    # Euclidean pairwise distances [B, K]
    a2 = jnp.sum(a * a, axis=1, keepdims=True)
    b2 = jnp.sum(b * b, axis=1, keepdims=True).T
    d2 = a2 + b2 - 2.0 * (a @ b.T)
    return jnp.sqrt(jnp.maximum(d2, 0.0))

def reference(image_1, image_2, W_in, b_in, W_out, b_out, book):
    x1 = image_1.reshape(image_1.shape[0], -1) @ W_in + b_in
    x2 = image_2.reshape(image_2.shape[0], -1) @ W_in + b_in
    input_data = x1 - x2
    distances = _cdist(input_data, book)
    indices = jnp.argmin(distances, axis=1)
    hard_quantized_input = jnp.take(book, indices, axis=0)
    random_vector = jax.random.normal(jax.random.key(1234), input_data.shape, dtype=jnp.float32)
    norm_quantization_residual = jnp.sqrt(jnp.sum(jnp.square(input_data - hard_quantized_input), axis=1, keepdims=True))
    norm_random_vector = jnp.sqrt(jnp.sum(jnp.square(random_vector), axis=1, keepdims=True))
    vq_error = (norm_quantization_residual / norm_random_vector + 1e-06) * random_vector
    quantized_input = input_data + vq_error
    return quantized_input @ W_out + b_out

if __name__ == "__main__":
    import jax
    _d = setup_inputs()
    print(jax.jit(kernel)(*tuple(_d.values())))

</pallas_src>

<mosaic_0001>
#map = affine_map<(d0, d1) -> (0, 0)>
#map1 = affine_map<(d0, d1) -> (0)>
module attributes {stable_mosaic.version = 14 : i64} {
  func.func @k(%arg0: i32, %arg1: i32, %arg2: memref<8192x256xf32, #tpu.memory_space<hbm>>, %arg3: memref<2048xi32, #tpu.memory_space<hbm>>, %arg4: memref<2048x256xf32, #tpu.memory_space<hbm>>, %arg5: memref<64xi32, #tpu.memory_space<vmem>>, %arg6: memref<64x256xf32, #tpu.memory_space<vmem>>, %arg7: memref<!tpu.dma_semaphore, #tpu.memory_space<semaphore_mem>>) attributes {dimension_semantics = [#tpu.dimension_semantics<core_parallel>, #tpu.dimension_semantics<subcore_parallel>], iteration_bounds = array<i64: 2, 16>, scalar_prefetch = 0 : i64, scratch_operands = 3 : i64, tpu.core_type = #tpu.core_type<sc_vector_subcore>, window_params = [{transform_indices = #map}, {transform_indices = #map1}, {transform_indices = #map}]} {
    %mul3A = arith.constant 2 : i32
    %mul3A_0 = arith.muli %arg1, %mul3A : i32
    %add3A = arith.addi %mul3A_0, %arg0 : i32
    %mul3A_1 = arith.constant 64 : i32
    %mul3A_2 = arith.muli %add3A, %mul3A_1 : i32
    "tpu.region"() ({
      %run_scoped3A = tpu.sem_alloc : memref<!tpu.dma_semaphore, #tpu.memory_space<semaphore_mem>>
      %dma_start3A_7 = tpu.memref_slice %arg3[%mul3A_2] : memref<2048xi32, #tpu.memory_space<hbm>> -> memref<64xi32, #tpu.memory_space<hbm>>
      %dma_start3A_8 = tpu.memref_slice %arg3[%mul3A_2] : memref<2048xi32, #tpu.memory_space<hbm>> -> memref<64xi32, #tpu.memory_space<hbm>>
      tpu.enqueue_dma source(%dma_start3A_8 : memref<64xi32, #tpu.memory_space<hbm>>) target(%arg5 : memref<64xi32, #tpu.memory_space<vmem>>) target_semaphore(%run_scoped3A : memref<!tpu.dma_semaphore, #tpu.memory_space<semaphore_mem>>)
      %dma_wait3A_9 = tpu.memref_slice %arg3[%mul3A_2] : memref<2048xi32, #tpu.memory_space<hbm>> -> memref<64xi32, #tpu.memory_space<hbm>>
      %dma_wait3A_10 = tpu.memref_slice %arg3[%mul3A_2] : memref<2048xi32, #tpu.memory_space<hbm>> -> memref<64xi32, #tpu.memory_space<hbm>>
      tpu.wait_dma2 semaphore(%run_scoped3A : memref<!tpu.dma_semaphore, #tpu.memory_space<semaphore_mem>>) src(%dma_wait3A_10 : memref<64xi32, #tpu.memory_space<hbm>>) dst(%arg5 : memref<64xi32, #tpu.memory_space<vmem>>)
      tpu.yield
    }) : () -> ()
    %dma_start3A = arith.constant 0 : i32
    %dma_start3A_3 = arith.constant 0 : i32
    %dma_start3A_4 = tpu.memref_slice %arg2[%dma_start3A, %dma_start3A_3] : memref<8192x256xf32, #tpu.memory_space<hbm>> -> memref<8192x256xf32, #tpu.memory_space<hbm>>
    tpu.enqueue_indirect_dma source(%dma_start3A_4 : memref<8192x256xf32, #tpu.memory_space<hbm>>) target(%arg6 : memref<64x256xf32, #tpu.memory_space<vmem>>) offsets(%arg5 : memref<64xi32, #tpu.memory_space<vmem>>) semaphore(%arg7 : memref<!tpu.dma_semaphore, #tpu.memory_space<semaphore_mem>>)
    %dma_wait3A = arith.constant 0 : i32
    %dma_wait3A_5 = arith.constant 0 : i32
    %dma_wait3A_6 = tpu.memref_slice %arg2[%dma_wait3A, %dma_wait3A_5] : memref<8192x256xf32, #tpu.memory_space<hbm>> -> memref<8192x256xf32, #tpu.memory_space<hbm>>
    tpu.wait_indirect_dma semaphore(%arg7 : memref<!tpu.dma_semaphore, #tpu.memory_space<semaphore_mem>>) src(%dma_wait3A_6 : memref<8192x256xf32, #tpu.memory_space<hbm>>) dst(%arg6 : memref<64x256xf32, #tpu.memory_space<vmem>>)
    "tpu.region"() ({
      %run_scoped3A = tpu.sem_alloc : memref<!tpu.dma_semaphore, #tpu.memory_space<semaphore_mem>>
      %dma_start3A_7 = arith.constant 0 : i32
      %dma_start3A_8 = tpu.memref_slice %arg4[%mul3A_2, %dma_start3A_7] : memref<2048x256xf32, #tpu.memory_space<hbm>> -> memref<64x256xf32, #tpu.memory_space<hbm>>
      %dma_start3A_9 = arith.constant 0 : i32
      %dma_start3A_10 = tpu.memref_slice %arg4[%mul3A_2, %dma_start3A_9] : memref<2048x256xf32, #tpu.memory_space<hbm>> -> memref<64x256xf32, #tpu.memory_space<hbm>>
      tpu.enqueue_dma source(%arg6 : memref<64x256xf32, #tpu.memory_space<vmem>>) target(%dma_start3A_10 : memref<64x256xf32, #tpu.memory_space<hbm>>) target_semaphore(%run_scoped3A : memref<!tpu.dma_semaphore, #tpu.memory_space<semaphore_mem>>)
      %dma_wait3A_11 = arith.constant 0 : i32
      %dma_wait3A_12 = tpu.memref_slice %arg4[%mul3A_2, %dma_wait3A_11] : memref<2048x256xf32, #tpu.memory_space<hbm>> -> memref<64x256xf32, #tpu.memory_space<hbm>>
      %dma_wait3A_13 = arith.constant 0 : i32
      %dma_wait3A_14 = tpu.memref_slice %arg4[%mul3A_2, %dma_wait3A_13] : memref<2048x256xf32, #tpu.memory_space<hbm>> -> memref<64x256xf32, #tpu.memory_space<hbm>>
      tpu.wait_dma2 semaphore(%run_scoped3A : memref<!tpu.dma_semaphore, #tpu.memory_space<semaphore_mem>>) src(%arg6 : memref<64x256xf32, #tpu.memory_space<vmem>>) dst(%dma_wait3A_14 : memref<64x256xf32, #tpu.memory_space<hbm>>)
      tpu.yield
    }) : () -> ()
    return
  }
}

module attributes {stable_mosaic.version = 14 : i64} {
  func.func @_argmin_body(%arg0: i32, %arg1: i32, %arg2: memref<256x256xbf16, #tpu.memory_space<vmem>>, %arg3: memref<8192x256xf32, #tpu.memory_space<vmem>>, %arg4: memref<1x1x256xi32, #tpu.memory_space<vmem>>, %arg5: memref<8192x256xbf16, #tpu.memory_space<vmem>>, %arg6: memref<1x8192xbf16, #tpu.memory_space<vmem>>, %arg7: memref<256x2048xbf16, #tpu.memory_space<vmem>>, %arg8: memref<256x2048xbf16, #tpu.memory_space<vmem>>) attributes {dimension_semantics = [#tpu.dimension_semantics<arbitrary>, #tpu.dimension_semantics<arbitrary>], iteration_bounds = array<i64: 8, 4>, scalar_prefetch = 0 : i64, scratch_operands = 4 : i64, tpu.core_type = #tpu.core_type<tc>, window_params = [{transform_indices = @transform_0, window_bounds = array<i64: 256, 256>}, {pipeline_mode = #tpu.pipeline_mode<synchronous>, transform_indices = @transform_1, window_bounds = array<i64: 8192, 256>}, {transform_indices = @transform_2, window_bounds = array<i64: 1, 1, 256>}]} {
    %eq3A = arith.constant 0 : i32
    %eq3A_0 = arith.cmpi eq, %arg0, %eq3A : i32
    %convert_element_type3A = arith.extui %eq3A_0 : i1 to i32
    %cond3A = arith.constant 0 : i32
    %cond3A_1 = arith.cmpi ne, %convert_element_type3A, %cond3A : i32
    scf.if %cond3A_1 {
      %mul3A_42 = arith.constant 2048 : i32
      %mul3A_43 = arith.muli %arg1, %mul3A_42 : i32
      %get3A_44 = arith.index_cast %mul3A_43 : i32 to index
      %get3A_45 = arith.constant 0 : index
      %get3A_46 = vector.load %arg3[%get3A_44, %get3A_45] : memref<8192x256xf32, #tpu.memory_space<vmem>>, vector<2048x256xf32>
      %convert_element_type3A_47 = arith.truncf %get3A_46 : vector<2048x256xf32> to vector<2048x256xbf16>
      %mul3A_48 = arith.constant 2048 : i32
      %mul3A_49 = arith.muli %arg1, %mul3A_48 : i32
      %swap3A_50 = arith.index_cast %mul3A_49 : i32 to index
      %swap3A_51 = arith.constant 0 : index
      %swap3A_52 = vector.load %arg5[%swap3A_50, %swap3A_51] : memref<8192x256xbf16, #tpu.memory_space<vmem>>, vector<2048x256xbf16>
      tpu.vector_store %arg5[%swap3A_50, %swap3A_51], %convert_element_type3A_47 {strides = array<i32>} : memref<8192x256xbf16, #tpu.memory_space<vmem>>, vector<2048x256xbf16>,
      %broadcast_in_dim3A_53 = arith.constant 1.000000e+00 : f32
      %broadcast_in_dim3A_54 = vector.broadcast %broadcast_in_dim3A_53 : f32 to vector<1x256xf32>
      %mul3A_55 = arith.mulf %get3A_46, %get3A_46 : vector<2048x256xf32>
      %dot_general3A_56 = arith.constant dense<0.000000e+00> : vector<1x2048xf32>
      %dot_general3A_57 = tpu.matmul %broadcast_in_dim3A_54, %mul3A_55, %dot_general3A_56 {dimension_numbers = #tpu.dot_dimension_numbers<[1], [1], [0], [0], [0, 0, 1, 0], [], []>, transpose_lhs_hint = false} : vector<1x256xf32>, vector<2048x256xf32>, vector<1x2048xf32> -> vector<1x2048xf32>
      %convert_element_type3A_58 = arith.truncf %dot_general3A_57 : vector<1x2048xf32> to vector<1x2048xbf16>
      %mul3A_59 = arith.constant 2048 : i32
      %mul3A_60 = arith.muli %arg1, %mul3A_59 : i32
      %swap3A_61 = arith.constant 0 : index
      %swap3A_62 = arith.index_cast %mul3A_60 : i32 to index
      %swap3A_63 = vector.load %arg6[%swap3A_61, %swap3A_62] : memref<1x8192xbf16, #tpu.memory_space<vmem>>, vector<1x2048xbf16>
      tpu.vector_store %arg6[%swap3A_61, %swap3A_62], %convert_element_type3A_58 {strides = array<i32>} : memref<1x8192xbf16, #tpu.memory_space<vmem>>, vector<1x2048xbf16>,
    } else {
    }
    %eq3A_2 = arith.constant 0 : i32
    %eq3A_3 = arith.cmpi eq, %arg1, %eq3A_2 : i32
    %convert_element_type3A_4 = arith.extui %eq3A_3 : i1 to i32
    %cond3A_5 = arith.constant 0 : i32
    %cond3A_6 = arith.cmpi ne, %convert_element_type3A_4, %cond3A_5 : i32
    scf.if %cond3A_6 {
      %broadcast_in_dim3A_42 = arith.constant 0x7F80 : bf16
      %broadcast_in_dim3A_43 = vector.broadcast %broadcast_in_dim3A_42 : bf16 to vector<256x2048xbf16>
      %swap3A_44 = arith.constant 0 : index
      %swap3A_45 = arith.constant 0 : index
      %swap3A_46 = vector.load %arg7[%swap3A_44, %swap3A_45] : memref<256x2048xbf16, #tpu.memory_space<vmem>>, vector<256x2048xbf16>
      tpu.vector_store %arg7[%swap3A_44, %swap3A_45], %broadcast_in_dim3A_43 {strides = array<i32>} : memref<256x2048xbf16, #tpu.memory_space<vmem>>, vector<256x2048xbf16>,
      %broadcast_in_dim3A_47 = arith.constant 0.000000e+00 : bf16
      %broadcast_in_dim3A_48 = vector.broadcast %broadcast_in_dim3A_47 : bf16 to vector<256x2048xbf16>
      %swap3A_49 = arith.constant 0 : index
      %swap3A_50 = arith.constant 0 : index
      %swap3A_51 = vector.load %arg8[%swap3A_49, %swap3A_50] : memref<256x2048xbf16, #tpu.memory_space<vmem>>, vector<256x2048xbf16>
      tpu.vector_store %arg8[%swap3A_49, %swap3A_50], %broadcast_in_dim3A_48 {strides = array<i32>} : memref<256x2048xbf16, #tpu.memory_space<vmem>>, vector<256x2048xbf16>,
    } else {
    }
    %get3A = arith.constant 0 : index
    %get3A_7 = arith.constant 0 : index
    %get3A_8 = vector.load %arg2[%get3A, %get3A_7] : memref<256x256xbf16, #tpu.memory_space<vmem>>, vector<256x256xbf16>
    %mul3A = arith.constant 2048 : i32
    %mul3A_9 = arith.muli %arg1, %mul3A : i32
    %get3A_10 = arith.index_cast %mul3A_9 : i32 to index
    %get3A_11 = arith.constant 0 : index
    %get3A_12 = vector.load %arg5[%get3A_10, %get3A_11] : memref<8192x256xbf16, #tpu.memory_space<vmem>>, vector<2048x256xbf16>
    %dot_general3A = arith.constant dense<0.000000e+00> : vector<256x2048xf32>
    %dot_general3A_13 = tpu.matmul %get3A_8, %get3A_12, %dot_general3A {dimension_numbers = #tpu.dot_dimension_numbers<[1], [1], [0], [0], [0, 0, 1, 0], [], []>, transpose_lhs_hint = false} : vector<256x256xbf16>, vector<2048x256xbf16>, vector<256x2048xf32> -> vector<256x2048xf32>
    %convert_element_type3A_14 = arith.truncf %dot_general3A_13 : vector<256x2048xf32> to vector<256x2048xbf16>
    %mul3A_15 = arith.constant 2048 : i32
    %mul3A_16 = arith.muli %arg1, %mul3A_15 : i32
    %get3A_17 = arith.constant 0 : index
    %get3A_18 = arith.index_cast %mul3A_16 : i32 to index
    %get3A_19 = vector.load %arg6[%get3A_17, %get3A_18] : memref<1x8192xbf16, #tpu.memory_space<vmem>>, vector<1x2048xbf16>
    %add3A = vector.broadcast %get3A_19 : vector<1x2048xbf16> to vector<256x2048xbf16>
    %add3A_20 = arith.addf %convert_element_type3A_14, %add3A : vector<256x2048xbf16>
    %get3A_21 = arith.constant 0 : index
    %get3A_22 = arith.constant 0 : index
    %get3A_23 = vector.load %arg7[%get3A_21, %get3A_22] : memref<256x2048xbf16, #tpu.memory_space<vmem>>, vector<256x2048xbf16>
    %lt3A = arith.cmpf olt, %add3A_20, %get3A_23 : vector<256x2048xbf16>
    %get3A_24 = arith.constant 0 : index
    %get3A_25 = arith.constant 0 : index
    %get3A_26 = vector.load %arg7[%get3A_24, %get3A_25] : memref<256x2048xbf16, #tpu.memory_space<vmem>>, vector<256x2048xbf16>
    %select_n3A = arith.select %lt3A, %add3A_20, %get3A_26 : vector<256x2048xi1>, vector<256x2048xbf16>
    %swap3A = arith.constant 0 : index
    %swap3A_27 = arith.constant 0 : index
    %swap3A_28 = vector.load %arg7[%swap3A, %swap3A_27] : memref<256x2048xbf16, #tpu.memory_space<vmem>>, vector<256x2048xbf16>
    tpu.vector_store %arg7[%swap3A, %swap3A_27], %select_n3A {strides = array<i32>} : memref<256x2048xbf16, #tpu.memory_space<vmem>>, vector<256x2048xbf16>,
    %convert_element_type3A_29 = arith.sitofp %arg1 : i32 to bf16
    %get3A_30 = arith.constant 0 : index
    %get3A_31 = arith.constant 0 : index
    %get3A_32 = vector.load %arg8[%get3A_30, %get3A_31] : memref<256x2048xbf16, #tpu.memory_space<vmem>>, vector<256x2048xbf16>
    %broadcast_in_dim3A = vector.broadcast %convert_element_type3A_29 : bf16 to vector<256x2048xbf16>
    %select_n3A_33 = arith.select %lt3A, %broadcast_in_dim3A, %get3A_32 : vector<256x2048xi1>, vector<256x2048xbf16>
    %swap3A_34 = arith.constant 0 : index
    %swap3A_35 = arith.constant 0 : index
    %swap3A_36 = vector.load %arg8[%swap3A_34, %swap3A_35] : memref<256x2048xbf16, #tpu.memory_space<vmem>>, vector<256x2048xbf16>
    tpu.vector_store %arg8[%swap3A_34, %swap3A_35], %select_n3A_33 {strides = array<i32>} : memref<256x2048xbf16, #tpu.memory_space<vmem>>, vector<256x2048xbf16>,
    %eq3A_37 = arith.constant 3 : i32
    %eq3A_38 = arith.cmpi eq, %arg1, %eq3A_37 : i32
    %convert_element_type3A_39 = arith.extui %eq3A_38 : i1 to i32
    %cond3A_40 = arith.constant 0 : i32
    %cond3A_41 = arith.cmpi ne, %convert_element_type3A_39, %cond3A_40 : i32
    scf.if %cond3A_41 {
      %get3A_42 = arith.constant 0 : index
      %get3A_43 = arith.constant 0 : index
      %get3A_44 = vector.load %arg7[%get3A_42, %get3A_43] : memref<256x2048xbf16, #tpu.memory_space<vmem>>, vector<256x2048xbf16>
      %reduce_min3A = arith.constant dense<0x7F80> : vector<256xbf16>
      %reduce_min3A_45 = vector.multi_reduction <minimumf>, %get3A_44, %reduce_min3A [1] : vector<256x2048xbf16> to vector<256xbf16>
      %broadcast_in_dim3A_46 = vector.shape_cast %reduce_min3A_45 : vector<256xbf16> to vector<256x1xbf16>
      %get3A_47 = arith.constant 0 : index
      %get3A_48 = arith.constant 0 : index
      %get3A_49 = vector.load %arg8[%get3A_47, %get3A_48] : memref<256x2048xbf16, #tpu.memory_space<vmem>>, vector<256x2048xbf16>
      %convert_element_type3A_50 = arith.fptosi %get3A_49 : vector<256x2048xbf16> to vector<256x2048xi32>
      %mul3A_51 = arith.constant 2048 : i32
      %mul3A_52 = vector.broadcast %mul3A_51 : i32 to vector<256x2048xi32>
      %mul3A_53 = arith.muli %convert_element_type3A_50, %mul3A_52 : vector<256x2048xi32>
      %iota3A = tpu.iota {dimensions = array<i32: 1>} : vector<256x2048xi32>
      %add3A_54 = arith.addi %mul3A_53, %iota3A : vector<256x2048xi32>
      %le3A = vector.broadcast %broadcast_in_dim3A_46 : vector<256x1xbf16> to vector<256x2048xbf16>
      %le3A_55 = arith.cmpf ole, %get3A_44, %le3A : vector<256x2048xbf16>
      %jit3A = arith.constant 2147483647 : i32
      %broadcast_in_dim3A_56 = vector.broadcast %jit3A : i32 to vector<256x2048xi32>
      %select_n3A_57 = arith.select %le3A_55, %add3A_54, %broadcast_in_dim3A_56 : vector<256x2048xi1>, vector<256x2048xi32>
      %reduce_min3A_58 = arith.constant dense<2147483647> : vector<256xi32>
      %reduce_min3A_59 = vector.multi_reduction <minsi>, %select_n3A_57, %reduce_min3A_58 [1] : vector<256x2048xi32> to vector<256xi32>
      %reshape3A = vector.shape_cast %reduce_min3A_59 : vector<256xi32> to vector<1x1x256xi32>
      %swap3A_60 = arith.constant 0 : index
      %swap3A_61 = arith.constant 0 : index
      %swap3A_62 = arith.constant 0 : index
      %swap3A_63 = vector.load %arg4[%swap3A_60, %swap3A_61, %swap3A_62] : memref<1x1x256xi32, #tpu.memory_space<vmem>>, vector<1x1x256xi32>
      tpu.vector_store %arg4[%swap3A_60, %swap3A_61, %swap3A_62], %reshape3A {strides = array<i32>} : memref<1x1x256xi32, #tpu.memory_space<vmem>>, vector<1x1x256xi32>,
    } else {
    }
    return
  }
  func.func @transform_0(%arg0: i32, %arg1: i32) -> (i32, i32) {
    %c0_i32 = arith.constant 0 : i32
    %c0_i32_0 = arith.constant 0 : i32
    return %arg0, %c0_i32 : i32, i32
  }
  func.func @transform_1(%arg0: i32, %arg1: i32) -> (i32, i32) {
    %c0_i32 = arith.constant 0 : i32
    %c0_i32_0 = arith.constant 0 : i32
    %c0_i32_1 = arith.constant 0 : i32
    return %c0_i32, %c0_i32_0 : i32, i32
  }
  func.func @transform_2(%arg0: i32, %arg1: i32) -> (i32, i32, i32) {
    %c0_i32 = arith.constant 0 : i32
    %c0_i32_0 = arith.constant 0 : i32
    %c0_i32_1 = arith.constant 0 : i32
    return %arg0, %c0_i32, %c0_i32_0 : i32, i32, i32
  }
}

module attributes {stable_mosaic.version = 14 : i64} {
  func.func @_decode_body(%arg0: i32, %arg1: memref<256x256xf32, #tpu.memory_space<vmem>>, %arg2: memref<256x256xf32, #tpu.memory_space<vmem>>, %arg3: memref<256x256xf32, #tpu.memory_space<vmem>>, %arg4: memref<256x3072xf32, #tpu.memory_space<vmem>>, %arg5: memref<1x3072xf32, #tpu.memory_space<vmem>>, %arg6: memref<256x3072xf32, #tpu.memory_space<vmem>>) attributes {dimension_semantics = [#tpu.dimension_semantics<arbitrary>], iteration_bounds = array<i64: 8>, scalar_prefetch = 0 : i64, scratch_operands = 0 : i64, tpu.core_type = #tpu.core_type<tc>, window_params = [{transform_indices = @transform_0, window_bounds = array<i64: 256, 256>}, {transform_indices = @transform_1, window_bounds = array<i64: 256, 256>}, {transform_indices = @transform_2, window_bounds = array<i64: 256, 256>}, {pipeline_mode = #tpu.pipeline_mode<synchronous>, transform_indices = @transform_3, window_bounds = array<i64: 256, 3072>}, {pipeline_mode = #tpu.pipeline_mode<synchronous>, transform_indices = @transform_4, window_bounds = array<i64: 1, 3072>}, {transform_indices = @transform_5, window_bounds = array<i64: 256, 3072>}]} {
    %get3A = arith.constant 0 : index
    %get3A_0 = arith.constant 0 : index
    %get3A_1 = vector.load %arg1[%get3A, %get3A_0] : memref<256x256xf32, #tpu.memory_space<vmem>>, vector<256x256xf32>
    %get3A_2 = arith.constant 0 : index
    %get3A_3 = arith.constant 0 : index
    %get3A_4 = vector.load %arg2[%get3A_2, %get3A_3] : memref<256x256xf32, #tpu.memory_space<vmem>>, vector<256x256xf32>
    %sub3A = arith.subf %get3A_1, %get3A_4 : vector<256x256xf32>
    %mul3A = arith.mulf %sub3A, %sub3A : vector<256x256xf32>
    %reduce_sum3A = arith.constant dense<0.000000e+00> : vector<256xf32>
    %reduce_sum3A_5 = vector.multi_reduction <add>, %mul3A, %reduce_sum3A [1] : vector<256x256xf32> to vector<256xf32>
    %broadcast_in_dim3A = vector.shape_cast %reduce_sum3A_5 : vector<256xf32> to vector<256x1xf32>
    %sqrt3A = math.sqrt %broadcast_in_dim3A : vector<256x1xf32>
    %get3A_6 = arith.constant 0 : index
    %get3A_7 = arith.constant 0 : index
    %get3A_8 = vector.load %arg3[%get3A_6, %get3A_7] : memref<256x256xf32, #tpu.memory_space<vmem>>, vector<256x256xf32>
    %mul3A_9 = arith.mulf %get3A_8, %get3A_8 : vector<256x256xf32>
    %reduce_sum3A_10 = arith.constant dense<0.000000e+00> : vector<256xf32>
    %reduce_sum3A_11 = vector.multi_reduction <add>, %mul3A_9, %reduce_sum3A_10 [1] : vector<256x256xf32> to vector<256xf32>
    %broadcast_in_dim3A_12 = vector.shape_cast %reduce_sum3A_11 : vector<256xf32> to vector<256x1xf32>
    %sqrt3A_13 = math.sqrt %broadcast_in_dim3A_12 : vector<256x1xf32>
    %div3A = arith.divf %sqrt3A, %sqrt3A_13 : vector<256x1xf32>
    %add3A = arith.constant 9.99999997E-7 : f32
    %add3A_14 = vector.broadcast %add3A : f32 to vector<256x1xf32>
    %add3A_15 = arith.addf %div3A, %add3A_14 : vector<256x1xf32>
    %mul3A_16 = vector.broadcast %add3A_15 : vector<256x1xf32> to vector<256x256xf32>
    %mul3A_17 = arith.mulf %mul3A_16, %get3A_8 : vector<256x256xf32>
    %add3A_18 = arith.addf %get3A_1, %mul3A_17 : vector<256x256xf32>
    %get3A_19 = arith.constant 0 : index
    %get3A_20 = arith.constant 0 : index
    %get3A_21 = vector.load %arg4[%get3A_19, %get3A_20] : memref<256x3072xf32, #tpu.memory_space<vmem>>, vector<256x3072xf32>
    %dot_general3A = arith.constant dense<0.000000e+00> : vector<256x3072xf32>
    %dot_general3A_22 = tpu.matmul %add3A_18, %get3A_21, %dot_general3A {dimension_numbers = #tpu.dot_dimension_numbers<[1], [0], [0], [1], [0, 0, 1, 1], [], []>, transpose_lhs_hint = false} : vector<256x256xf32>, vector<256x3072xf32>, vector<256x3072xf32> -> vector<256x3072xf32>
    %get3A_23 = arith.constant 0 : index
    %get3A_24 = arith.constant 0 : index
    %get3A_25 = vector.load %arg5[%get3A_23, %get3A_24] : memref<1x3072xf32, #tpu.memory_space<vmem>>, vector<1x3072xf32>
    %add3A_26 = vector.broadcast %get3A_25 : vector<1x3072xf32> to vector<256x3072xf32>
    %add3A_27 = arith.addf %dot_general3A_22, %add3A_26 : vector<256x3072xf32>
    %swap3A = arith.constant 0 : index
    %swap3A_28 = arith.constant 0 : index
    %swap3A_29 = vector.load %arg6[%swap3A, %swap3A_28] : memref<256x3072xf32, #tpu.memory_space<vmem>>, vector<256x3072xf32>
    tpu.vector_store %arg6[%swap3A, %swap3A_28], %add3A_27 {strides = array<i32>} : memref<256x3072xf32, #tpu.memory_space<vmem>>, vector<256x3072xf32>,
    return
  }
  func.func @transform_0(%arg0: i32) -> (i32, i32) {
    %c0_i32 = arith.constant 0 : i32
    %c0_i32_0 = arith.constant 0 : i32
    return %arg0, %c0_i32 : i32, i32
  }
  func.func @transform_1(%arg0: i32) -> (i32, i32) {
    %c0_i32 = arith.constant 0 : i32
    %c0_i32_0 = arith.constant 0 : i32
    return %arg0, %c0_i32 : i32, i32
  }
  func.func @transform_2(%arg0: i32) -> (i32, i32) {
    %c0_i32 = arith.constant 0 : i32
    %c0_i32_0 = arith.constant 0 : i32
    return %arg0, %c0_i32 : i32, i32
  }
  func.func @transform_3(%arg0: i32) -> (i32, i32) {
    %c0_i32 = arith.constant 0 : i32
    %c0_i32_0 = arith.constant 0 : i32
    %c0_i32_1 = arith.constant 0 : i32
    return %c0_i32, %c0_i32_0 : i32, i32
  }
  func.func @transform_4(%arg0: i32) -> (i32, i32) {
    %c0_i32 = arith.constant 0 : i32
    %c0_i32_0 = arith.constant 0 : i32
    %c0_i32_1 = arith.constant 0 : i32
    return %c0_i32, %c0_i32_0 : i32, i32
  }
  func.func @transform_5(%arg0: i32) -> (i32, i32) {
    %c0_i32 = arith.constant 0 : i32
    %c0_i32_0 = arith.constant 0 : i32
    return %arg0, %c0_i32 : i32, i32
  }
}

module attributes {stable_mosaic.version = 14 : i64} {
  func.func @_inmatmul_body(%arg0: i32, %arg1: memref<256x3072xf32, #tpu.memory_space<vmem>>, %arg2: memref<256x3072xf32, #tpu.memory_space<vmem>>, %arg3: memref<3072x256xf32, #tpu.memory_space<vmem>>, %arg4: memref<256x256xf32, #tpu.memory_space<vmem>>, %arg5: memref<256x256xbf16, #tpu.memory_space<vmem>>) attributes {dimension_semantics = [#tpu.dimension_semantics<arbitrary>], iteration_bounds = array<i64: 8>, scalar_prefetch = 0 : i64, scratch_operands = 0 : i64, tpu.core_type = #tpu.core_type<tc>, window_params = [{transform_indices = @transform_0, window_bounds = array<i64: 256, 3072>}, {transform_indices = @transform_1, window_bounds = array<i64: 256, 3072>}, {pipeline_mode = #tpu.pipeline_mode<synchronous>, transform_indices = @transform_2, window_bounds = array<i64: 3072, 256>}, {transform_indices = @transform_3, window_bounds = array<i64: 256, 256>}, {transform_indices = @transform_4, window_bounds = array<i64: 256, 256>}]} {
    %get3A = arith.constant 0 : index
    %get3A_0 = arith.constant 0 : index
    %get3A_1 = vector.load %arg1[%get3A, %get3A_0] : memref<256x3072xf32, #tpu.memory_space<vmem>>, vector<256x3072xf32>
    %get3A_2 = arith.constant 0 : index
    %get3A_3 = arith.constant 0 : index
    %get3A_4 = vector.load %arg2[%get3A_2, %get3A_3] : memref<256x3072xf32, #tpu.memory_space<vmem>>, vector<256x3072xf32>
    %sub3A = arith.subf %get3A_1, %get3A_4 : vector<256x3072xf32>
    %get3A_5 = arith.constant 0 : index
    %get3A_6 = arith.constant 0 : index
    %get3A_7 = vector.load %arg3[%get3A_5, %get3A_6] : memref<3072x256xf32, #tpu.memory_space<vmem>>, vector<3072x256xf32>
    %dot_general3A = arith.constant dense<0.000000e+00> : vector<256x256xf32>
    %dot_general3A_8 = tpu.matmul %sub3A, %get3A_7, %dot_general3A {dimension_numbers = #tpu.dot_dimension_numbers<[1], [0], [0], [1], [0, 0, 1, 1], [], []>, transpose_lhs_hint = false} : vector<256x3072xf32>, vector<3072x256xf32>, vector<256x256xf32> -> vector<256x256xf32>
    %swap3A = arith.constant 0 : index
    %swap3A_9 = arith.constant 0 : index
    %swap3A_10 = vector.load %arg4[%swap3A, %swap3A_9] : memref<256x256xf32, #tpu.memory_space<vmem>>, vector<256x256xf32>
    tpu.vector_store %arg4[%swap3A, %swap3A_9], %dot_general3A_8 {strides = array<i32>} : memref<256x256xf32, #tpu.memory_space<vmem>>, vector<256x256xf32>,
    %mul3A = arith.constant -2.000000e+00 : f32
    %mul3A_11 = vector.broadcast %mul3A : f32 to vector<256x256xf32>
    %mul3A_12 = arith.mulf %mul3A_11, %dot_general3A_8 : vector<256x256xf32>
    %convert_element_type3A = arith.truncf %mul3A_12 : vector<256x256xf32> to vector<256x256xbf16>
    %swap3A_13 = arith.constant 0 : index
    %swap3A_14 = arith.constant 0 : index
    %swap3A_15 = vector.load %arg5[%swap3A_13, %swap3A_14] : memref<256x256xbf16, #tpu.memory_space<vmem>>, vector<256x256xbf16>
    tpu.vector_store %arg5[%swap3A_13, %swap3A_14], %convert_element_type3A {strides = array<i32>} : memref<256x256xbf16, #tpu.memory_space<vmem>>, vector<256x256xbf16>,
    return
  }
  func.func @transform_0(%arg0: i32) -> (i32, i32) {
    %c0_i32 = arith.constant 0 : i32
    %c0_i32_0 = arith.constant 0 : i32
    return %arg0, %c0_i32 : i32, i32
  }
  func.func @transform_1(%arg0: i32) -> (i32, i32) {
    %c0_i32 = arith.constant 0 : i32
    %c0_i32_0 = arith.constant 0 : i32
    return %arg0, %c0_i32 : i32, i32
  }
  func.func @transform_2(%arg0: i32) -> (i32, i32) {
    %c0_i32 = arith.constant 0 : i32
    %c0_i32_0 = arith.constant 0 : i32
    %c0_i32_1 = arith.constant 0 : i32
    return %c0_i32, %c0_i32_0 : i32, i32
  }
  func.func @transform_3(%arg0: i32) -> (i32, i32) {
    %c0_i32 = arith.constant 0 : i32
    %c0_i32_0 = arith.constant 0 : i32
    return %arg0, %c0_i32 : i32, i32
  }
  func.func @transform_4(%arg0: i32) -> (i32, i32) {
    %c0_i32 = arith.constant 0 : i32
    %c0_i32_0 = arith.constant 0 : i32
    return %arg0, %c0_i32 : i32, i32
  }
}

</mosaic_0001>

<sc_bundles>
// kernel: kernel.6.cloned.1.call-start
scs
__scs_entry_jumppad:
0x0: {  	(pc) =	sbr.rel $0x88, $3  }
0x1: {  	(tag) =	ssettag $0x0;
	lr =	simm.s32 $0x1  }
0x2: {  	[smem:$0x3F9B] =	sst lr;
	_ =	strace $0xD0000000  }
0x3: {  	_ = 	snop  }
0x4: {  	_ = 	snop  }
0x5: {  	_ = 	snop  }
0x6: {  	_ = 	snop  }
0x7: {  	_ = 	snop  }
__scs_overlays_trampoline_lowered:
0x8: {  	[smem:$0x3FAA] =	sst s0  }
0x9: {  	[smem:$0x3FAB] =	sst s1  }
0xa: {  	[smem:$0x3FAC] =	sst s2  }
0xb: {  	[smem:$0x3FAD] =	sst s3  }
0xc: {  	[smem:$0x3FAE] =	sst s4  }
0xd: {  	[smem:$0x3FAF] =	sst s5  }
0xe: {  	[smem:$0x3FB0] =	sst s6  }
0xf: {  	[smem:$0x3FB1] =	sst s7  }
0x10: {  	[smem:$0x3FB2] =	sst s8  }
0x11: {  	[smem:$0x3FB3] =	sst s9;
	s0 =	simm.s32 @!p0 $0x0  }
0x12: {  	s1 =	sld [smem:$0x3F99];
	s0 =	simm.s32 @p0 $0x1  }
0x13: {  	[smem:$0x3FB4] =	sst s0;
	s0 =	simm.s32 @!p1 $0x0  }
0x14: {  	s2 =	sld [smem:$0x3F98];
	s0 =	simm.s32 @p1 $0x1  }
0x15: {  	[smem:$0x3FB5] =	sst s0;
	s0 =	simm.s32 @!p2 $0x0  }
0x16: {  	s3 =	sld [smem:$0x3FDB];
	s0 =	simm.s32 @p2 $0x1  }
0x17: {  	s4 =	simm.s32 $0x1BF5;
	[smem:$0x3FB7] =	sst s0  }
0x18: {  	s0 =	sld [smem:$0x3F9A];
	_ =	swait.ge [sflag:s4], $0x0  }
0x19: {  	s7 =	sld [smem:$0x3F9B]  }
0x1a: {  	s8 =	sadd.s32 $0xFFFFE003, lr  }
0x1b: {  	s9 =	sadd.s32 $0xFFFFFEF7, lr;
	s5 =	simm.s32 $0xFFFFFFFF;
	p2 =	slt.u32 s8, $0xFFFFF086  }
0x1c: {  	p1 =	slt.u32 s9, $0xF7A;
	s5 =	simm.s32 @!p2 $0x0  }
0x1d: {  	s5 =	simm.s32 @p1 $0x1;
	p0 =	seq.s32 s7, s2  }
0x1e: {  	s7 =	smul.u32 @!p0 $0xF7A, s2;
	p2 =	seq.s32 @!p0 s5, $0x0  }
0x1f: {  	s9 =	smul.u32 $0xF7A, s1;
	s8 =	simm.s32 @!p0 $0x1BF5;
	p2 =	por !p2, p0  }
0x20: {  	[sflag:s8] =	ssyncset.s32 @!p0 $0xFFFFF086;
	s6 =	sadd.s32 @!p0 s3, s7;
	s7 =	simm.s32 @!p0 $0x108  }
0x21: {  	s3 =	sadd.s32 s3, s9;
	s6 =	sadd.s32 @!p0 $0x88, s6;
	s7 =	simm.s32 @p2 $0x1082  }
0x22: {  	[simem:s7], [sflag:s8] =	dma.local @!p0 [hbm:s6], $0xF7A  }
0x23: {  	s9 =	sor.u32 $0xD0000000, s2;
	s6 =	simm.s32 $0x108;
	_ =	swait.ge @!p0 [sflag:s8], $0x0  }
0x24: {  	s3 =	sadd.s32 $0x88, s3;
	s6 =	simm.s32 @!p1 $0x1082;
	[sflag:s4] =	ssyncset.s32 $0xFFFFF086  }
0x25: {  	[simem:s6], [sflag:s4] =	dma.local [hbm:s3], $0xF7A  }
0x26: {  	[smem:$0x3F9B] =	sst s1;
	(tag) =	ssettag s2;
	_ =	strace s9  }
0x27: {  	s1 =	sld [smem:$0x3FAB]  }
0x28: {  	s2 =	sld [smem:$0x3FAC]  }
0x29: {  	s4 =	sld [smem:$0x3FAE]  }
0x2a: {  	p0 =	seq.s32 s5, $0x0;
	s5 =	sld [smem:$0x3FAF]  }
0x2b: {  	s6 =	sld [smem:$0x3FB0]  }
0x2c: {  	s7 =	sld [smem:$0x3FB1]  }
0x2d: {  	s3 =	simm.s32 $0x108;
	s8 =	sld [smem:$0x3FB2]  }
0x2e: {  	s3 =	simm.s32 @!p0 $0x1082;
	s9 =	sld [smem:$0x3FB3]  }
0x2f: {  	lr =	sadd.s32 s0, s3;
	s0 =	sld [smem:$0x3FAA]  }
0x30: {  	s3 =	sld [smem:$0x3FAD]  }
0x31: {  	[smem:$0x3FB6] =	sst s10  }
0x32: {  	s10 =	sld [smem:$0x3FB4];
	_ =	sdelay $0x3  }
0x33: {  	p0 =	seq.s32 s10, $0x1;
	s10 =	sld [smem:$0x3FB6];
	_ =	sdelay $0x3  }
0x34: {  	[smem:$0x3FB6] =	sst s10  }
0x35: {  	s10 =	sld [smem:$0x3FB5];
	_ =	sdelay $0x3  }
0x36: {  	p1 =	seq.s32 s10, $0x1;
	s10 =	sld [smem:$0x3FB6];
	_ =	sdelay $0x3  }
0x37: {  	[smem:$0x3FB6] =	sst s10  }
0x38: {  	s10 =	sld [smem:$0x3FB7]  }
0x39: {  	_ = 	snop;
	(pc) =	sbr.ind lr, $3  }
0x3a: {  	_ = 	snop  }
0x3b: {  	_ = 	snop  }
0x3c: {  	p2 =	seq.s32 s10, $0x1;
	s10 =	sld [smem:$0x3FB6]  }
0x3d: {  	_ =	shalt  }
0x3e: {  	_ =	shalt  }
0x3f: {  	_ =	shalt  }
0x40: {  	_ =	shalt  }
0x41: {  	_ =	shalt  }
0x42: {  	_ =	shalt  }
0x43: {  	_ =	shalt  }
0x44: {  	_ =	shalt  }
0x45: {  	_ =	shalt  }
0x46: {  	_ =	shalt  }
0x47: {  	_ =	shalt  }
0x48: {  	_ =	shalt  }
0x49: {  	_ =	shalt  }
0x4a: {  	_ =	shalt  }
0x4b: {  	_ =	shalt  }
0x4c: {  	_ =	shalt  }
0x4d: {  	_ =	shalt  }
0x4e: {  	_ =	shalt  }
0x4f: {  	_ =	shalt  }
0x50: {  	_ =	shalt  }
0x51: {  	_ =	shalt  }
0x52: {  	_ =	shalt  }
0x53: {  	_ =	shalt  }
0x54: {  	_ =	shalt  }
0x55: {  	_ =	shalt  }
0x56: {  	_ =	shalt  }
0x57: {  	_ =	shalt  }
0x58: {  	_ =	shalt  }
0x59: {  	_ =	shalt  }
0x5a: {  	_ =	shalt  }
0x5b: {  	_ =	shalt  }
0x5c: {  	_ =	shalt  }
0x5d: {  	_ =	shalt  }
0x5e: {  	_ =	shalt  }
0x5f: {  	_ =	shalt  }
0x60: {  	_ =	shalt  }
0x61: {  	_ =	shalt  }
0x62: {  	_ =	shalt  }
0x63: {  	_ =	shalt  }
0x64: {  	_ =	shalt  }
0x65: {  	_ =	shalt  }
0x66: {  	_ =	shalt  }
0x67: {  	_ =	shalt  }
0x68: {  	_ =	shalt  }
0x69: {  	_ =	shalt  }
0x6a: {  	_ =	shalt  }
0x6b: {  	_ =	shalt  }
0x6c: {  	_ =	shalt  }
0x6d: {  	_ =	shalt  }
0x6e: {  	_ =	shalt  }
0x6f: {  	_ =	shalt  }
0x70: {  	_ =	shalt  }
0x71: {  	_ =	shalt  }
0x72: {  	_ =	shalt  }
0x73: {  	_ =	shalt  }
0x74: {  	_ =	shalt  }
0x75: {  	_ =	shalt  }
0x76: {  	_ =	shalt  }
0x77: {  	_ =	shalt  }
0x78: {  	_ =	shalt  }
0x79: {  	_ =	shalt  }
0x7a: {  	_ =	shalt  }
0x7b: {  	_ =	shalt  }
0x7c: {  	_ =	shalt  }
0x7d: {  	_ =	shalt  }
0x7e: {  	_ =	shalt  }
0x7f: {  	_ =	shalt  }
0x80: {  	_ =	shalt  }
0x81: {  	_ =	shalt  }
0x82: {  	_ =	shalt  }
0x83: {  	_ =	shalt  }
0x84: {  	_ =	shalt  }
0x85: {  	_ =	shalt  }
0x86: {  	_ =	shalt  }
0x87: {  	_ =	shalt  }
.Lfunc_end0:
.L_simem_size_0:
called_computation_lowered:
.L_overlay_start_0:
0x88: {  	s2 =	sld [smem:$0x3FD9]  }
0x89: {  	s3 =	sld [smem:$0x3FFE];
	_ =	sdelay $0x1  }
0x8a: {  	s1 =	srdreg.scid  }
0x8b: {  	s0 =	sand.u32 $0x1, s1  }
0x8c: {  	s17 =	sshll.u32 s0, $0xA;
	s2 =	sadd.s32 s3, s2  }
0x8d: {  	s2 =	sadd.s32 s2, s17  }
0x8e: {  	[smem:$0x3FC2] =	sst s2  }
0x8f: {  	_ = 	snop  }
0x90: {  	s2 =	sld [smem:$0x3FC4]  }
0x91: {  	s18 =	sld [smem:$0x3FD0];
	(tm) =	ssettm $0x1  }
0x92: {  	s4 =	sld [smem:$0x3FFB];
	_ =	sdelay $0x3  }
0x93: {  	_ =	strace s4  }
0x94: {  	s4 =	sld [smem:$0x3FFC];
	_ =	sdelay $0x3  }
0x95: {  	_ =	strace s4  }
0x96: {  	s4 =	sld [smem:$0x3FFD];
	_ =	sdelay $0x3  }
0x97: {  	_ =	strace s4  }
0x98: {  	_ =	strace $0x8FFFFFFF  }
0x99: {  	s19 =	sld [smem:$0x3FDB];
	_ =	sdelay $0x1  }
0x9a: {  	s5 =	simm.s32 $_scs_section_size  }
0x9b: {  	s6 =	simm.s32 $_size__tile_overlayer_lowered;
	s7 =	simm.s32 $_tile_overlayer_lowered  }
0x9c: {  	s22 =	simm.s32 $0x1BFF;
	s21 =	sshll.u32 s7, $0x1;
	s4 =	sadd.s32 s5, s19  }
0x9d: {  	s8 =	simm.s32 $0x0;
	s20 =	sshll.u32 s6, $0x1;
	s6 =	sadd.s32 s21, s4  }
0x9e: {  	[timem:s8], [sflag:s22] =	dma.local [hbm:s6], s20  }
0x9f: {  	_ =	swait.ge [sflag:s22], s20  }
0xa0: {  	s5 =	ssub.s32 $0x0, s20;
	[sflag:s22] =	ssyncset.done $0x0  }
0xa1: {  	[sflag:s22] =	ssyncadd.s32 s5;
	_ =	sdelay $0x1  }
0xa2: {  	s23 =	simm.s32 $0x1B8B  }
0xa3: {  	_ =	swait.ge [sflag:s23], $0x1  }
0xa4: {  	[sflag:s23] =	ssyncset.done $0x0  }
0xa5: {  	s25 =	simm.s32 $0x1B8E;
	s24 =	sld [smem:$0x3FFE];
	[sflag:s23] =	ssyncadd.s32 $0xFFFFFFFF  }
0xa6: {  	s26 =	simm.s32 $execute0_lowered;
	[smem:$0x3FD2] =	sst s25  }
0xa7: {  	s6 =	sshll.u32 s26, $0x1;
	_ =	strace $0x80000046;
	[dreg:$0x1] =	wrdreg $0xFFFFFFFF  }
0xa8: {  	s28 =	simm.s32 $_size_execute0_lowered;
	s4 =	sadd.s32 s4, s6;
	[dreg:$0x0] =	wrdreg $0x0  }
0xa9: {  	s6 =	sshll.u32 s28, $0x1;
	[dreg:$0x2] =	wrdreg s4  }
0xaa: {  	[dreg:$0x3] =	wrdreg s6  }
0xab: {  	[dreg:$0x4] =	wrdreg $0xC0  }
0xac: {  	_ =	task [dreg:s8], $0x5FFFF  }
0xad: {  	[dreg:$0x1] =	wrdreg $0xFFFFFFFF  }
0xae: {  	[dreg:$0x0] =	wrdreg $0x60  }
0xaf: {  	[dreg:$0x2] =	wrdreg s2  }
0xb0: {  	[dreg:$0x3] =	wrdreg s24  }
0xb1: {  	[dreg:$0x4] =	wrdreg s18  }
0xb2: {  	[dreg:$0x5] =	wrdreg $0x9  }
0xb3: {  	_ =	task.clear_ibuf [dreg:s8], $0x6FFFF;
	_ =	strace $0x90000046  }
0xb4: {  	s29 =	simm.s32 $0x9;
	_ =	strace $0x80000048  }
0xb5: {  	_ =	swait.ge [sflag:s29], $0x1  }
0xb6: {  	[sflag:s29] =	ssyncadd.s32 $0xFFFFFFFF  }
0xb7: {  	_ =	strace $0x90000048  }
0xb8: {  	_ =	sfence  }
0xb9: {  	s30 =	sld [smem:$0x0];
	_ =	sdelay $0x2  }
0xba: {  	s31 =	sshll.u32 s1, $0xD;
	s1 =	sshrl.u32 s1, $0x2  }
0xbb: {  	s3 =	sand.u32 $0x4000, s31;
	s1 =	sadd.s32 s1, s30  }
0xbc: {  	s0 =	sor.u32 s3, s0;
	s1 =	sshll.u32 s1, $0x11  }
0xbd: {  	s0 =	sor.u32 s1, s0  }
0xbe: {  	s0 =	sadd.s32 $0x8F2B, s0  }
0xbf: {  	[sflag:s0] =	ssyncadd.remote.s32 $0x1  }
0xc0: {  	_ =	sfence.sel $0xFFFF  }
0xc1: {  	[dreg:$0x0] =	wrdreg $0xFFFFFFFF;
	(pc) =	sbr.abs _section_cstart, $3  }
0xc2: {  	[dreg:$0x1] =	wrdreg $0xFFFFFFFF  }
0xc3: {  	_ =	task.clear_ibuf [dreg:s8], $0x2FFFF;
	_ =	strace $0x9FFFFFFF  }
0xc4: {  	(tm) =	ssettm $0x7FFFFFFF  }
0xc5: {  	_ =	shalt  }
tec
execute0_lowered:
.L_overlay_start_1:
0x0: {  	(tag) =	ssettag $0x1  }
0x1: {  	s1 =	rddreg [dreg:$0x0]  }
0x2: {  	s2 =	srdreg.scid;
	s4 =	rddreg [dreg:$0x1]  }
0x3: {  	s0 =	stileid.u32;
	s6 =	rddreg [dreg:$0x2]  }
0x4: {  	s3 =	simm.s32 $0x0;
	s9 =	simm.s32 $0x880;
	s10 =	simm.s32 $0x1080  }
0x5: {  	s11 =	simm.s32 $0x1880;
	s12 =	simm.s32 $0x2080;
	s13 =	simm.s32 $0x2880  }
0x6: {  	s14 =	simm.s32 $0x3080;
	s15 =	simm.s32 $0x3880;
	s16 =	simm.s32 $0x1  }
0x7: {  	s5 =	sand.u32 $0x1, s2;
	s7 =	sshll.u32 s0, $0x7;
	s2 =	rddreg [dreg:$0x3]  }
0x8: {  	[smem:$0x7FF] =	sst s3;
	s8 =	sshll.u32 s5, $0x6;
	s5 =	ssub.s32 $0x2, s5  }
0x9: {  	_ =	strace $0x80000047;
	s7 =	sor.u32 s8, s7;
	s30 =	sshrl.u32 s5, $0x1  }
0xa: {  	v2 =	vlaneseq.u32;
	s8 =	sshrl.u32 s7, $0x3;
	s31 =	sshll.u32 s7, $0x5;
	s7 =	simm.s32 $0x2  }
0xb: {  	vm0 =	vmmov $0xffff;
	v1 =	vshrl.u32 v2, $0x3;
	s4 =	sadd.s32 s8, s4;
	s8 =	ssub.s32 s5, s30;
	s5 =	sadd.s32 s6, s31  }
0xc: {  	v0 =	vand.u32 $0x7, v2;
	v2 =	vor.u32 $0x8, v2;
	v1 =	vmul.u32 $0x8, v1;
	s4 =	sadd.s32 $0x1400, s4;
	s6 =	smax.u32 s8, $0x1;
	s8 =	simm.s32 $0x80  }
.LBB2_1:
0xd: {  	[tilespmem:s3], [sflag:$0x2] =	stream.linear.gather [hbm4b:s4+s3], $0x40, $0x38;
	[tilespmem:$0x4080] =	vst v63  }
0xe: {  	_ =	swait.ge [sflag:s7], $0x40  }
0xf: {  	[sflag:s7] =	ssyncset.done $0x0  }
0x10: {  	[sflag:s7] =	ssyncadd.s32 $0xFFFFFFC0  }
0x11: {  	v3 =	vld [tilespmem:$0x0];
	_ =	sdelay $0x4  }
0x12: {  	v4 =	vshll.u32 v3, $0x1  }
0x13: {  	v3 =	vand.u32 $0x7, v3;
	v4 =	vand.u32 $0xFFFFFFF0, v4  }
0x14: {  	v3 =	vor.u32 v3, v4  }
0x15: {  	v4 =	vperm.xlane v3, v0;
	_ =	sdelay $0x1  }
0x16: {  	v3 =	vperm.xlane v3, v2;
	v4 =	vadd.s32 v1, v4;
	_ =	sdelay $0x1  }
0x17: {  	v3 =	vadd.s32 v1, v3;
	_ =	sdelay $0x2  }
0x18: {  	[tilespmem:s8], [sflag:$0x1] =	stream.indirect_vreg.gather [hbm4b:s1+s3], $0x80, v4, vm0, $0xb8;
	[tilespmem:$0x4080] =	vst v63  }
0x19: {  	_ = 	snop  }
0x1a: {  	[tilespmem:s9], [sflag:$0x1] =	stream.indirect_vreg.gather [hbm4b:s1+s3], $0x80, v3, vm0, $0xb8;
	[tilespmem:$0x4080] =	vst v63  }
0x1b: {  	v3 =	vld [tilespmem:$0x10];
	_ =	sdelay $0x4  }
0x1c: {  	v61 =	vshll.u32 v3, $0x1  }
0x1d: {  	v3 =	vand.u32 $0x7, v3;
	v4 =	vand.u32 $0xFFFFFFF0, v61  }
0x1e: {  	v3 =	vor.u32 v3, v4  }
0x1f: {  	v4 =	vperm.xlane v3, v0;
	_ =	sdelay $0x1  }
0x20: {  	v3 =	vperm.xlane v3, v2;
	v4 =	vadd.s32 v1, v4;
	_ =	sdelay $0x1  }
0x21: {  	v3 =	vadd.s32 v1, v3;
	_ =	sdelay $0x2  }
0x22: {  	[tilespmem:s10], [sflag:$0x1] =	stream.indirect_vreg.gather [hbm4b:s1+s3], $0x80, v4, vm0, $0xb8;
	[tilespmem:$0x4080] =	vst v63  }
0x23: {  	_ = 	snop  }
0x24: {  	[tilespmem:s11], [sflag:$0x1] =	stream.indirect_vreg.gather [hbm4b:s1+s3], $0x80, v3, vm0, $0xb8;
	[tilespmem:$0x4080] =	vst v63  }
0x25: {  	v3 =	vld [tilespmem:$0x20];
	_ =	sdelay $0x4  }
0x26: {  	v62 =	vshll.u32 v3, $0x1  }
0x27: {  	v3 =	vand.u32 $0x7, v3;
	v4 =	vand.u32 $0xFFFFFFF0, v62  }
0x28: {  	v3 =	vor.u32 v3, v4  }
0x29: {  	v4 =	vperm.xlane v3, v0;
	_ =	sdelay $0x1  }
0x2a: {  	v3 =	vperm.xlane v3, v2;
	v4 =	vadd.s32 v1, v4;
	_ =	sdelay $0x1  }
0x2b: {  	v3 =	vadd.s32 v1, v3;
	_ =	sdelay $0x2  }
0x2c: {  	[tilespmem:s12], [sflag:$0x1] =	stream.indirect_vreg.gather [hbm4b:s1+s3], $0x80, v4, vm0, $0xb8;
	[tilespmem:$0x4080] =	vst v63  }
0x2d: {  	_ = 	snop  }
0x2e: {  	[tilespmem:s13], [sflag:$0x1] =	stream.indirect_vreg.gather [hbm4b:s1+s3], $0x80, v3, vm0, $0xb8;
	[tilespmem:$0x4080] =	vst v63  }
0x2f: {  	v3 =	vld [tilespmem:$0x30];
	_ =	sdelay $0x4  }
0x30: {  	v63 =	vshll.u32 v3, $0x1  }
0x31: {  	v3 =	vand.u32 $0x7, v3;
	v4 =	vand.u32 $0xFFFFFFF0, v63  }
0x32: {  	v3 =	vor.u32 v3, v4  }
0x33: {  	v4 =	vperm.xlane v3, v0;
	_ =	sdelay $0x1  }
0x34: {  	v3 =	vperm.xlane v3, v2;
	v4 =	vadd.s32 v1, v4;
	_ =	sdelay $0x1  }
0x35: {  	v3 =	vadd.s32 v1, v3;
	_ =	sdelay $0x2  }
0x36: {  	[tilespmem:s14], [sflag:$0x1] =	stream.indirect_vreg.gather [hbm4b:s1+s3], $0x80, v4, vm0, $0xb8;
	[tilespmem:$0x4080] =	vst v63  }
0x37: {  	_ = 	snop  }
0x38: {  	[tilespmem:s15], [sflag:$0x1] =	stream.indirect_vreg.gather [hbm4b:s1+s3], $0x80, v3, vm0, $0xb8;
	[tilespmem:$0x4080] =	vst v63  }
0x39: {  	_ =	swait.ge [sflag:s16], $0x4000  }
0x3a: {  	p0 =	sne.s32 s6, $0x1;
	[sflag:s16] =	ssyncset.done $0x0  }
.Ltmp0:
0x3b: {  	[sflag:s16] =	ssyncadd.s32 $0xFFFFC000;
	(pc) =	sbr.rel @p0 .LBB2_1-.Ltmp0, $4  }
0x3c: {  	[hbm4b:s5+s3] =	stream.linear.scatter [tilespmem:s8], [sflag:$0x2], $0x4000, $0x38;
	[tilespmem:$0x4080] =	vst v63  }
0x3d: {  	_ =	swait.ge [sflag:s7], $0x4000  }
0x3e: {  	[sflag:s7] =	ssyncset.done $0x0  }
0x3f: {  	s6 =	sadd.s32 $0xFFFFFFFF, s6;
	[sflag:s7] =	ssyncadd.s32 $0xFFFFC000  }
0x40: {  	_ =	sfence.sel $0x180000  }
0x41: {  	[bflag:$0x0] =	sbarrier.arrive $0xFFFF  }
0x42: {  	p0 =	sne.s32 s0, $0x0;
	_ =	strace $0x90000047  }
0x43: {  	s0 =	sadd.s32 @!p0 $0x100000, s2;
	[bflag:$0x2] =	sbarrier.arrive $0xFFFF  }
0x44: {  	[sflag:s0] =	ssyncadd.tile.s32 @!p0 $0x1;
	_ =	shalt  }
.Lfunc_end2:
_tile_overlayer_lowered:
.L_overlay_start_2:
0x45: {  	(tag) =	ssettag $0x2  }
0x46: {  	s0 =	rddreg [dreg:$0x0];
	s2 =	stileid.u32  }
0x47: {  	s1 =	rddreg [dreg:$0x1];
	p0 =	sne.s32 s2, $0x0  }
0x48: {  	s3 =	rddreg [dreg:$0x2];
	[bflag:$0x3] =	sbarrier.arrive $0xFFFF;
	s2 =	simm.s32 @!p0 $0x1C02  }
0x49: {  	[timem:s3], [sflag:s2] =	dma.local @!p0 [hbm:s0], s1  }
0x4a: {  	s0 =	simm.s32 @!p0 $0x2  }
0x4b: {  	_ =	swait.ge @!p0 [sflag:s0], s1  }
0x4c: {  	s1 =	ssub.s32 @!p0 $0x0, s1;
	[sflag:s0] =	ssyncset.done @!p0 $0x0  }
0x4d: {  	[sflag:s0] =	ssyncadd.s32 @!p0 s1  }
0x4e: {  	[bflag:$0x3] =	sbarrier.arrive $0xFFFF  }
0x4f: {  	_ =	shalt  }

</sc_bundles>
